<compile_context>
chip_gen: v7x
topology: tpu7x:2x2x1
jax: 0.10.2.dev20260603
libtpu: 0.0.44.dev20260713+nightly
codegen_flags: <defaults>
</compile_context>

<pallas_src>
import functools

import jax
import jax.numpy as jnp
from jax import lax
from jax.experimental import pallas as pl
from jax.experimental.pallas import tpu as pltpu
from jax.experimental.pallas import tpu_sc as plsc

TOPK_K = 8
B, LX, LM, D = 16, 256, 4096, 512
NC, NS, L = 2, 16, 16


NJ = 1
LMB = LM // NJ


def _scores_body(x_ref, mem_ref, s_ref):
    x = x_ref[0]
    mem = mem_ref[0]
    nb2 = jnp.sum(mem * mem, axis=1, keepdims=True).reshape(1, LMB)
    dot_t = lax.dot_general(
        x, mem, (((1,), (1,)), ((), ())),
        preferred_element_type=jnp.float32,
    )
    inv_na = 1.0 / jnp.sqrt(jnp.sum(x * x, axis=1, keepdims=True))
    best = jnp.max(dot_t * inv_na, axis=0, keepdims=True)
    s_ref[0] = best * jnp.abs(best) / nb2


def _tc_scores(embedded_x, embedded_memory):
    scores3 = pl.pallas_call(
        _scores_body,
        grid=(B, NJ),
        in_specs=[
            pl.BlockSpec((1, LX, D), lambda b, j: (b, 0, 0)),
            pl.BlockSpec((1, LMB, D), lambda b, j: (b, j, 0)),
        ],
        out_specs=pl.BlockSpec((1, 1, LMB), lambda b, j: (b, 0, j)),
        out_shape=jax.ShapeDtypeStruct((B, 1, LM), jnp.float32),
    )(embedded_x, embedded_memory)
    return scores3


def _sc_topk_body(scores_hbm, mem_hbm, *rest):
    qs = rest[:TOPK_K]
    i_hbm = rest[TOPK_K]
    s_v, fidx_v, rows_v, iout_v, sem = rest[TOPK_K + 1:]
    wid = lax.axis_index("s") * NC + lax.axis_index("c")

    @pl.when(wid < B)
    def _():
        b = wid
        pltpu.sync_copy(scores_hbm.at[b, 0], s_v)
        iota = lax.iota(jnp.int32, L)

        def step(i, carry):
            bv, bi = carry
            chunk = s_v[pl.ds(i * L, L)]
            cv, ci = plsc.sort_key_val(chunk, iota + i * L, descending=True)
            take = (cv > bv) | ((cv == bv) & (ci < bi))
            nv = jnp.where(take, cv, bv)
            ni = jnp.where(take, ci, bi)
            nv, ni = plsc.sort_key_val(nv, ni)
            return nv, ni

        init = (jnp.full((L,), -jnp.inf, jnp.float32),
                jnp.zeros((L,), jnp.int32))
        bv, bi = lax.fori_loop(0, LM // L, step, init)
        ri = lax.rev(bi, (0,))
        iout_v[...] = ri
        fidx_v[...] = ri + b * LM
        pltpu.async_copy(mem_hbm.at[fidx_v.at[pl.ds(0, TOPK_K)]],
                         rows_v.at[pl.ds(0, TOPK_K)], sem).wait()
        copies = [
            pltpu.async_copy(rows_v.at[pl.ds(i, 1)], q.at[pl.ds(b, 1)], sem)
            for i, q in enumerate(qs)
        ]
        for cp in copies:
            cp.wait()
        pltpu.sync_copy(iout_v.at[pl.ds(0, TOPK_K)],
                        i_hbm.at[pl.ds(b * TOPK_K, TOPK_K)])


_sc_topk = functools.partial(
    pl.kernel,
    out_type=[jax.ShapeDtypeStruct((B, D), jnp.float32)] * TOPK_K
    + [jax.ShapeDtypeStruct((B * TOPK_K,), jnp.int32)],
    mesh=plsc.VectorSubcoreMesh(
        core_axis_name="c", subcore_axis_name="s",
        num_cores=NC, num_subcores=NS,
    ),
    compiler_params=pltpu.CompilerParams(needs_layout_passes=False),
    scratch_types=[
        pltpu.VMEM((LM,), jnp.float32),
        pltpu.VMEM((L,), jnp.int32),
        pltpu.VMEM((L, D), jnp.float32),
        pltpu.VMEM((L,), jnp.int32),
        pltpu.SemaphoreType.DMA,
    ],
)(_sc_topk_body)


def kernel(embedded_x, embedded_memory):
    scores = _tc_scores(embedded_x, embedded_memory)
    mem_flat = embedded_memory.reshape(B * LM, D)
    outs = _sc_topk(scores, mem_flat)
    return tuple(outs[:TOPK_K]) + (outs[TOPK_K].reshape(B, TOPK_K),)

# --- scband reference (transcript-rebuilt; emitter-appended) ---
"""Pipeline reference for scband-select-14250701488402 (READ-ONLY COPY).

The authoritative reference and input builder live on the scoring server;
editing this copy changes nothing except your own understanding.
"""

import jax, jax.numpy as jnp
import numpy as np

TOPK = 8


def setup_inputs(seed: int = 0) -> dict:
    key = jax.random.key(seed)
    k1, k2 = jax.random.split(key)
    embedded_x = jax.random.normal(k1, (16, 256, 512), dtype=jnp.float32)
    embedded_memory = jax.random.normal(k2, (16, 4096, 512), dtype=jnp.float32)
    return {"embedded_x": embedded_x, "embedded_memory": embedded_memory}


def reference(embedded_x, embedded_memory):
    # dot[b, m, x] = <memory[b, m, :], x[b, x, :]>
    dot = jnp.matmul(embedded_memory, jnp.swapaxes(embedded_x, -1, -2))
    norm_a = jnp.sqrt(jnp.sum(embedded_x * embedded_x, axis=-1))      # [B, Lx]
    norm_b = jnp.sqrt(jnp.sum(embedded_memory * embedded_memory, axis=-1))  # [B, Lm]
    norm_ab = jnp.matmul(norm_b[..., :, None], norm_a[..., None, :])  # [B, Lm, Lx]
    sim = dot / norm_ab  # cosine similarity
    # best match over query positions for each memory slot
    sim_vals, _ = jax.lax.top_k(sim, 1)          # [B, Lm, 1]
    sim2 = jnp.squeeze(sim_vals, axis=-1)        # [B, Lm]
    # top-k memory slots per batch element
    _, max_index = jax.lax.top_k(sim2, TOPK)     # [B, TOPK] int32
    return_index = max_index
    # batched gather of the selected memory rows (tf.gather_nd equivalent)
    querys = jnp.take_along_axis(embedded_memory, max_index[..., None], axis=1)  # [B, TOPK, d]
    # tf.unstack(querys, axis=1) -> list of TOPK tensors [B, d], plus indices
    outputs = tuple(querys[:, i, :] for i in range(TOPK)) + (return_index,)
    return outputs


if False:  # reference __main__ guard neutralized (emitter)
    out = reference(**setup_inputs())
    print([o.shape for o in out])

if __name__ == "__main__":
    import jax
    _d = setup_inputs()
    print(jax.jit(kernel)(*tuple(_d.values())))

</pallas_src>

<mosaic_0001>
#map = affine_map<(d0, d1) -> (0, 0, 0)>
#map1 = affine_map<(d0, d1) -> (0, 0)>
#map2 = affine_map<(d0, d1) -> (0)>
module attributes {stable_mosaic.version = 14 : i64} {
  func.func @_sc_topk_body(%arg0: i32, %arg1: i32, %arg2: memref<16x1x4096xf32, #tpu.memory_space<hbm>>, %arg3: memref<65536x512xf32, #tpu.memory_space<hbm>>, %arg4: memref<16x512xf32, #tpu.memory_space<hbm>>, %arg5: memref<16x512xf32, #tpu.memory_space<hbm>>, %arg6: memref<16x512xf32, #tpu.memory_space<hbm>>, %arg7: memref<16x512xf32, #tpu.memory_space<hbm>>, %arg8: memref<16x512xf32, #tpu.memory_space<hbm>>, %arg9: memref<16x512xf32, #tpu.memory_space<hbm>>, %arg10: memref<16x512xf32, #tpu.memory_space<hbm>>, %arg11: memref<16x512xf32, #tpu.memory_space<hbm>>, %arg12: memref<128xi32, #tpu.memory_space<hbm>>, %arg13: memref<4096xf32, #tpu.memory_space<vmem>>, %arg14: memref<16xi32, #tpu.memory_space<vmem>>, %arg15: memref<16x512xf32, #tpu.memory_space<vmem>>, %arg16: memref<16xi32, #tpu.memory_space<vmem>>, %arg17: memref<!tpu.dma_semaphore, #tpu.memory_space<semaphore_mem>>) attributes {dimension_semantics = [#tpu.dimension_semantics<core_parallel>, #tpu.dimension_semantics<subcore_parallel>], iteration_bounds = array<i64: 2, 16>, scalar_prefetch = 0 : i64, scratch_operands = 5 : i64, tpu.core_type = #tpu.core_type<sc_vector_subcore>, window_params = [{transform_indices = #map}, {transform_indices = #map1}, {transform_indices = #map1}, {transform_indices = #map1}, {transform_indices = #map1}, {transform_indices = #map1}, {transform_indices = #map1}, {transform_indices = #map1}, {transform_indices = #map1}, {transform_indices = #map1}, {transform_indices = #map2}]} {
    %mul3A = arith.constant 2 : i32
    %mul3A_0 = arith.muli %arg1, %mul3A : i32
    %add3A = arith.addi %mul3A_0, %arg0 : i32
    %lt3A = arith.constant 16 : i32
    %lt3A_1 = arith.cmpi slt, %add3A, %lt3A : i32
    %convert_element_type3A = arith.extui %lt3A_1 : i1 to i32
    %cond3A = arith.constant 0 : i32
    %cond3A_2 = arith.cmpi ne, %convert_element_type3A, %cond3A : i32
    scf.if %cond3A_2 {
      %run_scoped3A = arith.constant 0 : i32
      "tpu.region"() ({
        %run_scoped3A_198 = tpu.sem_alloc : memref<!tpu.dma_semaphore, #tpu.memory_space<semaphore_mem>>
        %dma_start3A_199 = arith.constant 0 : i32
        %dma_start3A_200 = tpu.memref_slice %arg2[%add3A, %run_scoped3A, %dma_start3A_199] : memref<16x1x4096xf32, #tpu.memory_space<hbm>> -> memref<1x1x4096xf32, #tpu.memory_space<hbm>>
        %dma_start3A_201 = tpu.memref_squeeze %dma_start3A_200 : memref<1x1x4096xf32, #tpu.memory_space<hbm>> -> memref<4096xf32, #tpu.memory_space<hbm>>
        %dma_start3A_202 = arith.constant 0 : i32
        %dma_start3A_203 = tpu.memref_slice %arg2[%add3A, %run_scoped3A, %dma_start3A_202] : memref<16x1x4096xf32, #tpu.memory_space<hbm>> -> memref<1x1x4096xf32, #tpu.memory_space<hbm>>
        %dma_start3A_204 = tpu.memref_squeeze %dma_start3A_203 : memref<1x1x4096xf32, #tpu.memory_space<hbm>> -> memref<4096xf32, #tpu.memory_space<hbm>>
        tpu.enqueue_dma source(%dma_start3A_204 : memref<4096xf32, #tpu.memory_space<hbm>>) target(%arg13 : memref<4096xf32, #tpu.memory_space<vmem>>) target_semaphore(%run_scoped3A_198 : memref<!tpu.dma_semaphore, #tpu.memory_space<semaphore_mem>>)
        %dma_wait3A_205 = arith.constant 0 : i32
        %dma_wait3A_206 = tpu.memref_slice %arg2[%add3A, %run_scoped3A, %dma_wait3A_205] : memref<16x1x4096xf32, #tpu.memory_space<hbm>> -> memref<1x1x4096xf32, #tpu.memory_space<hbm>>
        %dma_wait3A_207 = tpu.memref_squeeze %dma_wait3A_206 : memref<1x1x4096xf32, #tpu.memory_space<hbm>> -> memref<4096xf32, #tpu.memory_space<hbm>>
        %dma_wait3A_208 = arith.constant 0 : i32
        %dma_wait3A_209 = tpu.memref_slice %arg2[%add3A, %run_scoped3A, %dma_wait3A_208] : memref<16x1x4096xf32, #tpu.memory_space<hbm>> -> memref<1x1x4096xf32, #tpu.memory_space<hbm>>
        %dma_wait3A_210 = tpu.memref_squeeze %dma_wait3A_209 : memref<1x1x4096xf32, #tpu.memory_space<hbm>> -> memref<4096xf32, #tpu.memory_space<hbm>>
        tpu.wait_dma2 semaphore(%run_scoped3A_198 : memref<!tpu.dma_semaphore, #tpu.memory_space<semaphore_mem>>) src(%dma_wait3A_210 : memref<4096xf32, #tpu.memory_space<hbm>>) dst(%arg13 : memref<4096xf32, #tpu.memory_space<vmem>>)
        tpu.yield
      }) : () -> ()
      %iota3A = tpu.iota {dimensions = array<i32: 0>} : vector<16xi32>
      %broadcast_in_dim3A = arith.constant 0xFF800000 : f32
      %broadcast_in_dim3A_3 = vector.broadcast %broadcast_in_dim3A : f32 to vector<16xf32>
      %broadcast_in_dim3A_4 = arith.constant 0 : i32
      %broadcast_in_dim3A_5 = vector.broadcast %broadcast_in_dim3A_4 : i32 to vector<16xi32>
      %scan3A = arith.constant 0 : i32
      %scan3A_6 = arith.constant 256 : i32
      %scan3A_7 = arith.addi %scan3A, %scan3A_6 : i32
      %scan3A_8 = arith.constant 1 : i32
      %scan3A_9:2 = scf.for %scan3A_198 = %scan3A to %scan3A_7 step %scan3A_8 iter_args(%scan3A_199 = %broadcast_in_dim3A_3, %scan3A_200 = %broadcast_in_dim3A_5) -> (vector<16xf32>, vector<16xi32>)  : i32 {
        %mul3A_201 = arith.constant 16 : i32
        %mul3A_202 = arith.muli %scan3A_198, %mul3A_201 : i32
        %get3A = arith.index_cast %mul3A_202 : i32 to index
        %get3A_203 = tpu.vector_load %arg13[%get3A] {strides = array<i32>} : memref<4096xf32, #tpu.memory_space<vmem>>, vector<16xf32>,
        %mul3A_204 = arith.constant 16 : i32
        %mul3A_205 = arith.muli %scan3A_198, %mul3A_204 : i32
        %add3A_206 = vector.broadcast %mul3A_205 : i32 to vector<16xi32>
        %add3A_207 = arith.addi %iota3A, %add3A_206 : vector<16xi32>
        %masked_sort3A = arith.constant dense<true> : vector<16xi1>
        %masked_sort3A_208, %masked_sort3A_209, %masked_sort3A_210 = tpu.sort %get3A_203, %add3A_207 masked %masked_sort3A {descending = true} : (vector<16xf32>, vector<16xi32>, vector<16xi1>) -> (vector<16xi1>, vector<16xf32>, vector<16xi32>)
        %gt3A = arith.cmpf ogt, %masked_sort3A_209, %scan3A_199 : vector<16xf32>
        %eq3A = arith.cmpf oeq, %masked_sort3A_209, %scan3A_199 : vector<16xf32>
        %lt3A_211 = arith.cmpi slt, %masked_sort3A_210, %scan3A_200 : vector<16xi32>
        %and3A = arith.andi %eq3A, %lt3A_211 : vector<16xi1>
        %or3A = arith.ori %gt3A, %and3A : vector<16xi1>
        %select_n3A = arith.select %or3A, %masked_sort3A_209, %scan3A_199 : vector<16xi1>, vector<16xf32>
        %select_n3A_212 = arith.select %or3A, %masked_sort3A_210, %scan3A_200 : vector<16xi1>, vector<16xi32>
        %masked_sort3A_213 = arith.constant dense<true> : vector<16xi1>
        %masked_sort3A_214, %masked_sort3A_215, %masked_sort3A_216 = tpu.sort %select_n3A, %select_n3A_212 masked %masked_sort3A_213 : (vector<16xf32>, vector<16xi32>, vector<16xi1>) -> (vector<16xi1>, vector<16xf32>, vector<16xi32>)
        scf.yield %masked_sort3A_215, %masked_sort3A_216 : vector<16xf32>, vector<16xi32>
      }
      %scan3A_10 = arith.constant 256 : i32
      %rev3A = arith.constant 15 : i32
      %rev3A_11 = vector.broadcast %rev3A : i32 to vector<16xi32>
      %rev3A_12 = tpu.iota {dimensions = array<i32: 0>} : vector<16xi32>
      %rev3A_13 = arith.subi %rev3A_11, %rev3A_12 : vector<16xi32>
      %rev3A_14 = tpu.dynamic_gather %scan3A_9#1[%rev3A_13] in [0] : vector<16xi32>, vector<16xi32> -> vector<16xi32>
      %swap3A = arith.constant 0 : index
      %swap3A_15 = tpu.vector_load %arg16[%swap3A] {strides = array<i32>} : memref<16xi32, #tpu.memory_space<vmem>>, vector<16xi32>,
      tpu.vector_store %arg16[%swap3A], %rev3A_14 {strides = array<i32>} : memref<16xi32, #tpu.memory_space<vmem>>, vector<16xi32>,
      %mul3A_16 = arith.constant 4096 : i32
      %mul3A_17 = arith.muli %add3A, %mul3A_16 : i32
      %add3A_18 = vector.broadcast %mul3A_17 : i32 to vector<16xi32>
      %add3A_19 = arith.addi %rev3A_14, %add3A_18 : vector<16xi32>
      %swap3A_20 = arith.constant 0 : index
      %swap3A_21 = tpu.vector_load %arg14[%swap3A_20] {strides = array<i32>} : memref<16xi32, #tpu.memory_space<vmem>>, vector<16xi32>,
      tpu.vector_store %arg14[%swap3A_20], %add3A_19 {strides = array<i32>} : memref<16xi32, #tpu.memory_space<vmem>>, vector<16xi32>,
      %dma_start3A = arith.constant 0 : i32
      %dma_start3A_22 = arith.constant 0 : i32
      %dma_start3A_23 = tpu.memref_slice %arg15[%dma_start3A, %dma_start3A_22] : memref<16x512xf32, #tpu.memory_space<vmem>> -> memref<8x512xf32, #tpu.memory_space<vmem>>
      %dma_start3A_24 = arith.constant 0 : i32
      %dma_start3A_25 = tpu.memref_slice %arg14[%dma_start3A_24] : memref<16xi32, #tpu.memory_space<vmem>> -> memref<8xi32, #tpu.memory_space<vmem>>
      %dma_start3A_26 = arith.constant 0 : i32
      %dma_start3A_27 = arith.constant 0 : i32
      %dma_start3A_28 = tpu.memref_slice %arg3[%dma_start3A_26, %dma_start3A_27] : memref<65536x512xf32, #tpu.memory_space<hbm>> -> memref<65536x512xf32, #tpu.memory_space<hbm>>
      tpu.enqueue_indirect_dma source(%dma_start3A_28 : memref<65536x512xf32, #tpu.memory_space<hbm>>) target(%dma_start3A_23 : memref<8x512xf32, #tpu.memory_space<vmem>>) offsets(%dma_start3A_25 : memref<8xi32, #tpu.memory_space<vmem>>) semaphore(%arg17 : memref<!tpu.dma_semaphore, #tpu.memory_space<semaphore_mem>>)
      %dma_wait3A = arith.constant 0 : i32
      %dma_wait3A_29 = arith.constant 0 : i32
      %dma_wait3A_30 = tpu.memref_slice %arg15[%dma_wait3A, %dma_wait3A_29] : memref<16x512xf32, #tpu.memory_space<vmem>> -> memref<8x512xf32, #tpu.memory_space<vmem>>
      %dma_wait3A_31 = arith.constant 0 : i32
      %dma_wait3A_32 = tpu.memref_slice %arg14[%dma_wait3A_31] : memref<16xi32, #tpu.memory_space<vmem>> -> memref<8xi32, #tpu.memory_space<vmem>>
      %dma_wait3A_33 = arith.constant 0 : i32
      %dma_wait3A_34 = arith.constant 0 : i32
      %dma_wait3A_35 = tpu.memref_slice %arg3[%dma_wait3A_33, %dma_wait3A_34] : memref<65536x512xf32, #tpu.memory_space<hbm>> -> memref<65536x512xf32, #tpu.memory_space<hbm>>
      tpu.wait_indirect_dma semaphore(%arg17 : memref<!tpu.dma_semaphore, #tpu.memory_space<semaphore_mem>>) src(%dma_wait3A_35 : memref<65536x512xf32, #tpu.memory_space<hbm>>) dst(%dma_wait3A_30 : memref<8x512xf32, #tpu.memory_space<vmem>>)
      %dma_start3A_36 = arith.constant 0 : i32
      %dma_start3A_37 = arith.constant 0 : i32
      %dma_start3A_38 = tpu.memref_slice %arg15[%dma_start3A_36, %dma_start3A_37] : memref<16x512xf32, #tpu.memory_space<vmem>> -> memref<1x512xf32, #tpu.memory_space<vmem>>
      %dma_start3A_39 = arith.constant 0 : i32
      %dma_start3A_40 = tpu.memref_slice %arg4[%add3A, %dma_start3A_39] : memref<16x512xf32, #tpu.memory_space<hbm>> -> memref<1x512xf32, #tpu.memory_space<hbm>>
      %dma_start3A_41 = arith.constant 0 : i32
      %dma_start3A_42 = tpu.memref_slice %arg4[%add3A, %dma_start3A_41] : memref<16x512xf32, #tpu.memory_space<hbm>> -> memref<1x512xf32, #tpu.memory_space<hbm>>
      %dma_start3A_43 = arith.constant 0 : i32
      %dma_start3A_44 = arith.constant 0 : i32
      %dma_start3A_45 = tpu.memref_slice %arg15[%dma_start3A_43, %dma_start3A_44] : memref<16x512xf32, #tpu.memory_space<vmem>> -> memref<1x512xf32, #tpu.memory_space<vmem>>
      tpu.enqueue_dma source(%dma_start3A_45 : memref<1x512xf32, #tpu.memory_space<vmem>>) target(%dma_start3A_42 : memref<1x512xf32, #tpu.memory_space<hbm>>) target_semaphore(%arg17 : memref<!tpu.dma_semaphore, #tpu.memory_space<semaphore_mem>>)
      %dma_start3A_46 = arith.constant 1 : i32
      %dma_start3A_47 = arith.constant 0 : i32
      %dma_start3A_48 = tpu.memref_slice %arg15[%dma_start3A_46, %dma_start3A_47] : memref<16x512xf32, #tpu.memory_space<vmem>> -> memref<1x512xf32, #tpu.memory_space<vmem>>
      %dma_start3A_49 = arith.constant 0 : i32
      %dma_start3A_50 = tpu.memref_slice %arg5[%add3A, %dma_start3A_49] : memref<16x512xf32, #tpu.memory_space<hbm>> -> memref<1x512xf32, #tpu.memory_space<hbm>>
      %dma_start3A_51 = arith.constant 0 : i32
      %dma_start3A_52 = tpu.memref_slice %arg5[%add3A, %dma_start3A_51] : memref<16x512xf32, #tpu.memory_space<hbm>> -> memref<1x512xf32, #tpu.memory_space<hbm>>
      %dma_start3A_53 = arith.constant 1 : i32
      %dma_start3A_54 = arith.constant 0 : i32
      %dma_start3A_55 = tpu.memref_slice %arg15[%dma_start3A_53, %dma_start3A_54] : memref<16x512xf32, #tpu.memory_space<vmem>> -> memref<1x512xf32, #tpu.memory_space<vmem>>
      tpu.enqueue_dma source(%dma_start3A_55 : memref<1x512xf32, #tpu.memory_space<vmem>>) target(%dma_start3A_52 : memref<1x512xf32, #tpu.memory_space<hbm>>) target_semaphore(%arg17 : memref<!tpu.dma_semaphore, #tpu.memory_space<semaphore_mem>>)
      %dma_start3A_56 = arith.constant 2 : i32
      %dma_start3A_57 = arith.constant 0 : i32
      %dma_start3A_58 = tpu.memref_slice %arg15[%dma_start3A_56, %dma_start3A_57] : memref<16x512xf32, #tpu.memory_space<vmem>> -> memref<1x512xf32, #tpu.memory_space<vmem>>
      %dma_start3A_59 = arith.constant 0 : i32
      %dma_start3A_60 = tpu.memref_slice %arg6[%add3A, %dma_start3A_59] : memref<16x512xf32, #tpu.memory_space<hbm>> -> memref<1x512xf32, #tpu.memory_space<hbm>>
      %dma_start3A_61 = arith.constant 0 : i32
      %dma_start3A_62 = tpu.memref_slice %arg6[%add3A, %dma_start3A_61] : memref<16x512xf32, #tpu.memory_space<hbm>> -> memref<1x512xf32, #tpu.memory_space<hbm>>
      %dma_start3A_63 = arith.constant 2 : i32
      %dma_start3A_64 = arith.constant 0 : i32
      %dma_start3A_65 = tpu.memref_slice %arg15[%dma_start3A_63, %dma_start3A_64] : memref<16x512xf32, #tpu.memory_space<vmem>> -> memref<1x512xf32, #tpu.memory_space<vmem>>
      tpu.enqueue_dma source(%dma_start3A_65 : memref<1x512xf32, #tpu.memory_space<vmem>>) target(%dma_start3A_62 : memref<1x512xf32, #tpu.memory_space<hbm>>) target_semaphore(%arg17 : memref<!tpu.dma_semaphore, #tpu.memory_space<semaphore_mem>>)
      %dma_start3A_66 = arith.constant 3 : i32
      %dma_start3A_67 = arith.constant 0 : i32
      %dma_start3A_68 = tpu.memref_slice %arg15[%dma_start3A_66, %dma_start3A_67] : memref<16x512xf32, #tpu.memory_space<vmem>> -> memref<1x512xf32, #tpu.memory_space<vmem>>
      %dma_start3A_69 = arith.constant 0 : i32
      %dma_start3A_70 = tpu.memref_slice %arg7[%add3A, %dma_start3A_69] : memref<16x512xf32, #tpu.memory_space<hbm>> -> memref<1x512xf32, #tpu.memory_space<hbm>>
      %dma_start3A_71 = arith.constant 0 : i32
      %dma_start3A_72 = tpu.memref_slice %arg7[%add3A, %dma_start3A_71] : memref<16x512xf32, #tpu.memory_space<hbm>> -> memref<1x512xf32, #tpu.memory_space<hbm>>
      %dma_start3A_73 = arith.constant 3 : i32
      %dma_start3A_74 = arith.constant 0 : i32
      %dma_start3A_75 = tpu.memref_slice %arg15[%dma_start3A_73, %dma_start3A_74] : memref<16x512xf32, #tpu.memory_space<vmem>> -> memref<1x512xf32, #tpu.memory_space<vmem>>
      tpu.enqueue_dma source(%dma_start3A_75 : memref<1x512xf32, #tpu.memory_space<vmem>>) target(%dma_start3A_72 : memref<1x512xf32, #tpu.memory_space<hbm>>) target_semaphore(%arg17 : memref<!tpu.dma_semaphore, #tpu.memory_space<semaphore_mem>>)
      %dma_start3A_76 = arith.constant 4 : i32
      %dma_start3A_77 = arith.constant 0 : i32
      %dma_start3A_78 = tpu.memref_slice %arg15[%dma_start3A_76, %dma_start3A_77] : memref<16x512xf32, #tpu.memory_space<vmem>> -> memref<1x512xf32, #tpu.memory_space<vmem>>
      %dma_start3A_79 = arith.constant 0 : i32
      %dma_start3A_80 = tpu.memref_slice %arg8[%add3A, %dma_start3A_79] : memref<16x512xf32, #tpu.memory_space<hbm>> -> memref<1x512xf32, #tpu.memory_space<hbm>>
      %dma_start3A_81 = arith.constant 0 : i32
      %dma_start3A_82 = tpu.memref_slice %arg8[%add3A, %dma_start3A_81] : memref<16x512xf32, #tpu.memory_space<hbm>> -> memref<1x512xf32, #tpu.memory_space<hbm>>
      %dma_start3A_83 = arith.constant 4 : i32
      %dma_start3A_84 = arith.constant 0 : i32
      %dma_start3A_85 = tpu.memref_slice %arg15[%dma_start3A_83, %dma_start3A_84] : memref<16x512xf32, #tpu.memory_space<vmem>> -> memref<1x512xf32, #tpu.memory_space<vmem>>
      tpu.enqueue_dma source(%dma_start3A_85 : memref<1x512xf32, #tpu.memory_space<vmem>>) target(%dma_start3A_82 : memref<1x512xf32, #tpu.memory_space<hbm>>) target_semaphore(%arg17 : memref<!tpu.dma_semaphore, #tpu.memory_space<semaphore_mem>>)
      %dma_start3A_86 = arith.constant 5 : i32
      %dma_start3A_87 = arith.constant 0 : i32
      %dma_start3A_88 = tpu.memref_slice %arg15[%dma_start3A_86, %dma_start3A_87] : memref<16x512xf32, #tpu.memory_space<vmem>> -> memref<1x512xf32, #tpu.memory_space<vmem>>
      %dma_start3A_89 = arith.constant 0 : i32
      %dma_start3A_90 = tpu.memref_slice %arg9[%add3A, %dma_start3A_89] : memref<16x512xf32, #tpu.memory_space<hbm>> -> memref<1x512xf32, #tpu.memory_space<hbm>>
      %dma_start3A_91 = arith.constant 0 : i32
      %dma_start3A_92 = tpu.memref_slice %arg9[%add3A, %dma_start3A_91] : memref<16x512xf32, #tpu.memory_space<hbm>> -> memref<1x512xf32, #tpu.memory_space<hbm>>
      %dma_start3A_93 = arith.constant 5 : i32
      %dma_start3A_94 = arith.constant 0 : i32
      %dma_start3A_95 = tpu.memref_slice %arg15[%dma_start3A_93, %dma_start3A_94] : memref<16x512xf32, #tpu.memory_space<vmem>> -> memref<1x512xf32, #tpu.memory_space<vmem>>
      tpu.enqueue_dma source(%dma_start3A_95 : memref<1x512xf32, #tpu.memory_space<vmem>>) target(%dma_start3A_92 : memref<1x512xf32, #tpu.memory_space<hbm>>) target_semaphore(%arg17 : memref<!tpu.dma_semaphore, #tpu.memory_space<semaphore_mem>>)
      %dma_start3A_96 = arith.constant 6 : i32
      %dma_start3A_97 = arith.constant 0 : i32
      %dma_start3A_98 = tpu.memref_slice %arg15[%dma_start3A_96, %dma_start3A_97] : memref<16x512xf32, #tpu.memory_space<vmem>> -> memref<1x512xf32, #tpu.memory_space<vmem>>
      %dma_start3A_99 = arith.constant 0 : i32
      %dma_start3A_100 = tpu.memref_slice %arg10[%add3A, %dma_start3A_99] : memref<16x512xf32, #tpu.memory_space<hbm>> -> memref<1x512xf32, #tpu.memory_space<hbm>>
      %dma_start3A_101 = arith.constant 0 : i32
      %dma_start3A_102 = tpu.memref_slice %arg10[%add3A, %dma_start3A_101] : memref<16x512xf32, #tpu.memory_space<hbm>> -> memref<1x512xf32, #tpu.memory_space<hbm>>
      %dma_start3A_103 = arith.constant 6 : i32
      %dma_start3A_104 = arith.constant 0 : i32
      %dma_start3A_105 = tpu.memref_slice %arg15[%dma_start3A_103, %dma_start3A_104] : memref<16x512xf32, #tpu.memory_space<vmem>> -> memref<1x512xf32, #tpu.memory_space<vmem>>
      tpu.enqueue_dma source(%dma_start3A_105 : memref<1x512xf32, #tpu.memory_space<vmem>>) target(%dma_start3A_102 : memref<1x512xf32, #tpu.memory_space<hbm>>) target_semaphore(%arg17 : memref<!tpu.dma_semaphore, #tpu.memory_space<semaphore_mem>>)
      %dma_start3A_106 = arith.constant 7 : i32
      %dma_start3A_107 = arith.constant 0 : i32
      %dma_start3A_108 = tpu.memref_slice %arg15[%dma_start3A_106, %dma_start3A_107] : memref<16x512xf32, #tpu.memory_space<vmem>> -> memref<1x512xf32, #tpu.memory_space<vmem>>
      %dma_start3A_109 = arith.constant 0 : i32
      %dma_start3A_110 = tpu.memref_slice %arg11[%add3A, %dma_start3A_109] : memref<16x512xf32, #tpu.memory_space<hbm>> -> memref<1x512xf32, #tpu.memory_space<hbm>>
      %dma_start3A_111 = arith.constant 0 : i32
      %dma_start3A_112 = tpu.memref_slice %arg11[%add3A, %dma_start3A_111] : memref<16x512xf32, #tpu.memory_space<hbm>> -> memref<1x512xf32, #tpu.memory_space<hbm>>
      %dma_start3A_113 = arith.constant 7 : i32
      %dma_start3A_114 = arith.constant 0 : i32
      %dma_start3A_115 = tpu.memref_slice %arg15[%dma_start3A_113, %dma_start3A_114] : memref<16x512xf32, #tpu.memory_space<vmem>> -> memref<1x512xf32, #tpu.memory_space<vmem>>
      tpu.enqueue_dma source(%dma_start3A_115 : memref<1x512xf32, #tpu.memory_space<vmem>>) target(%dma_start3A_112 : memref<1x512xf32, #tpu.memory_space<hbm>>) target_semaphore(%arg17 : memref<!tpu.dma_semaphore, #tpu.memory_space<semaphore_mem>>)
      %dma_wait3A_116 = arith.constant 0 : i32
      %dma_wait3A_117 = arith.constant 0 : i32
      %dma_wait3A_118 = tpu.memref_slice %arg15[%dma_wait3A_116, %dma_wait3A_117] : memref<16x512xf32, #tpu.memory_space<vmem>> -> memref<1x512xf32, #tpu.memory_space<vmem>>
      %dma_wait3A_119 = arith.constant 0 : i32
      %dma_wait3A_120 = tpu.memref_slice %arg4[%add3A, %dma_wait3A_119] : memref<16x512xf32, #tpu.memory_space<hbm>> -> memref<1x512xf32, #tpu.memory_space<hbm>>
      %dma_wait3A_121 = arith.constant 0 : i32
      %dma_wait3A_122 = tpu.memref_slice %arg4[%add3A, %dma_wait3A_121] : memref<16x512xf32, #tpu.memory_space<hbm>> -> memref<1x512xf32, #tpu.memory_space<hbm>>
      %dma_wait3A_123 = arith.constant 0 : i32
      %dma_wait3A_124 = arith.constant 0 : i32
      %dma_wait3A_125 = tpu.memref_slice %arg15[%dma_wait3A_123, %dma_wait3A_124] : memref<16x512xf32, #tpu.memory_space<vmem>> -> memref<1x512xf32, #tpu.memory_space<vmem>>
      tpu.wait_dma2 semaphore(%arg17 : memref<!tpu.dma_semaphore, #tpu.memory_space<semaphore_mem>>) src(%dma_wait3A_125 : memref<1x512xf32, #tpu.memory_space<vmem>>) dst(%dma_wait3A_122 : memref<1x512xf32, #tpu.memory_space<hbm>>)
      %dma_wait3A_126 = arith.constant 1 : i32
      %dma_wait3A_127 = arith.constant 0 : i32
      %dma_wait3A_128 = tpu.memref_slice %arg15[%dma_wait3A_126, %dma_wait3A_127] : memref<16x512xf32, #tpu.memory_space<vmem>> -> memref<1x512xf32, #tpu.memory_space<vmem>>
      %dma_wait3A_129 = arith.constant 0 : i32
      %dma_wait3A_130 = tpu.memref_slice %arg5[%add3A, %dma_wait3A_129] : memref<16x512xf32, #tpu.memory_space<hbm>> -> memref<1x512xf32, #tpu.memory_space<hbm>>
      %dma_wait3A_131 = arith.constant 0 : i32
      %dma_wait3A_132 = tpu.memref_slice %arg5[%add3A, %dma_wait3A_131] : memref<16x512xf32, #tpu.memory_space<hbm>> -> memref<1x512xf32, #tpu.memory_space<hbm>>
      %dma_wait3A_133 = arith.constant 1 : i32
      %dma_wait3A_134 = arith.constant 0 : i32
      %dma_wait3A_135 = tpu.memref_slice %arg15[%dma_wait3A_133, %dma_wait3A_134] : memref<16x512xf32, #tpu.memory_space<vmem>> -> memref<1x512xf32, #tpu.memory_space<vmem>>
      tpu.wait_dma2 semaphore(%arg17 : memref<!tpu.dma_semaphore, #tpu.memory_space<semaphore_mem>>) src(%dma_wait3A_135 : memref<1x512xf32, #tpu.memory_space<vmem>>) dst(%dma_wait3A_132 : memref<1x512xf32, #tpu.memory_space<hbm>>)
      %dma_wait3A_136 = arith.constant 2 : i32
      %dma_wait3A_137 = arith.constant 0 : i32
      %dma_wait3A_138 = tpu.memref_slice %arg15[%dma_wait3A_136, %dma_wait3A_137] : memref<16x512xf32, #tpu.memory_space<vmem>> -> memref<1x512xf32, #tpu.memory_space<vmem>>
      %dma_wait3A_139 = arith.constant 0 : i32
      %dma_wait3A_140 = tpu.memref_slice %arg6[%add3A, %dma_wait3A_139] : memref<16x512xf32, #tpu.memory_space<hbm>> -> memref<1x512xf32, #tpu.memory_space<hbm>>
      %dma_wait3A_141 = arith.constant 0 : i32
      %dma_wait3A_142 = tpu.memref_slice %arg6[%add3A, %dma_wait3A_141] : memref<16x512xf32, #tpu.memory_space<hbm>> -> memref<1x512xf32, #tpu.memory_space<hbm>>
      %dma_wait3A_143 = arith.constant 2 : i32
      %dma_wait3A_144 = arith.constant 0 : i32
      %dma_wait3A_145 = tpu.memref_slice %arg15[%dma_wait3A_143, %dma_wait3A_144] : memref<16x512xf32, #tpu.memory_space<vmem>> -> memref<1x512xf32, #tpu.memory_space<vmem>>
      tpu.wait_dma2 semaphore(%arg17 : memref<!tpu.dma_semaphore, #tpu.memory_space<semaphore_mem>>) src(%dma_wait3A_145 : memref<1x512xf32, #tpu.memory_space<vmem>>) dst(%dma_wait3A_142 : memref<1x512xf32, #tpu.memory_space<hbm>>)
      %dma_wait3A_146 = arith.constant 3 : i32
      %dma_wait3A_147 = arith.constant 0 : i32
      %dma_wait3A_148 = tpu.memref_slice %arg15[%dma_wait3A_146, %dma_wait3A_147] : memref<16x512xf32, #tpu.memory_space<vmem>> -> memref<1x512xf32, #tpu.memory_space<vmem>>
      %dma_wait3A_149 = arith.constant 0 : i32
      %dma_wait3A_150 = tpu.memref_slice %arg7[%add3A, %dma_wait3A_149] : memref<16x512xf32, #tpu.memory_space<hbm>> -> memref<1x512xf32, #tpu.memory_space<hbm>>
      %dma_wait3A_151 = arith.constant 0 : i32
      %dma_wait3A_152 = tpu.memref_slice %arg7[%add3A, %dma_wait3A_151] : memref<16x512xf32, #tpu.memory_space<hbm>> -> memref<1x512xf32, #tpu.memory_space<hbm>>
      %dma_wait3A_153 = arith.constant 3 : i32
      %dma_wait3A_154 = arith.constant 0 : i32
      %dma_wait3A_155 = tpu.memref_slice %arg15[%dma_wait3A_153, %dma_wait3A_154] : memref<16x512xf32, #tpu.memory_space<vmem>> -> memref<1x512xf32, #tpu.memory_space<vmem>>
      tpu.wait_dma2 semaphore(%arg17 : memref<!tpu.dma_semaphore, #tpu.memory_space<semaphore_mem>>) src(%dma_wait3A_155 : memref<1x512xf32, #tpu.memory_space<vmem>>) dst(%dma_wait3A_152 : memref<1x512xf32, #tpu.memory_space<hbm>>)
      %dma_wait3A_156 = arith.constant 4 : i32
      %dma_wait3A_157 = arith.constant 0 : i32
      %dma_wait3A_158 = tpu.memref_slice %arg15[%dma_wait3A_156, %dma_wait3A_157] : memref<16x512xf32, #tpu.memory_space<vmem>> -> memref<1x512xf32, #tpu.memory_space<vmem>>
      %dma_wait3A_159 = arith.constant 0 : i32
      %dma_wait3A_160 = tpu.memref_slice %arg8[%add3A, %dma_wait3A_159] : memref<16x512xf32, #tpu.memory_space<hbm>> -> memref<1x512xf32, #tpu.memory_space<hbm>>
      %dma_wait3A_161 = arith.constant 0 : i32
      %dma_wait3A_162 = tpu.memref_slice %arg8[%add3A, %dma_wait3A_161] : memref<16x512xf32, #tpu.memory_space<hbm>> -> memref<1x512xf32, #tpu.memory_space<hbm>>
      %dma_wait3A_163 = arith.constant 4 : i32
      %dma_wait3A_164 = arith.constant 0 : i32
      %dma_wait3A_165 = tpu.memref_slice %arg15[%dma_wait3A_163, %dma_wait3A_164] : memref<16x512xf32, #tpu.memory_space<vmem>> -> memref<1x512xf32, #tpu.memory_space<vmem>>
      tpu.wait_dma2 semaphore(%arg17 : memref<!tpu.dma_semaphore, #tpu.memory_space<semaphore_mem>>) src(%dma_wait3A_165 : memref<1x512xf32, #tpu.memory_space<vmem>>) dst(%dma_wait3A_162 : memref<1x512xf32, #tpu.memory_space<hbm>>)
      %dma_wait3A_166 = arith.constant 5 : i32
      %dma_wait3A_167 = arith.constant 0 : i32
      %dma_wait3A_168 = tpu.memref_slice %arg15[%dma_wait3A_166, %dma_wait3A_167] : memref<16x512xf32, #tpu.memory_space<vmem>> -> memref<1x512xf32, #tpu.memory_space<vmem>>
      %dma_wait3A_169 = arith.constant 0 : i32
      %dma_wait3A_170 = tpu.memref_slice %arg9[%add3A, %dma_wait3A_169] : memref<16x512xf32, #tpu.memory_space<hbm>> -> memref<1x512xf32, #tpu.memory_space<hbm>>
      %dma_wait3A_171 = arith.constant 0 : i32
      %dma_wait3A_172 = tpu.memref_slice %arg9[%add3A, %dma_wait3A_171] : memref<16x512xf32, #tpu.memory_space<hbm>> -> memref<1x512xf32, #tpu.memory_space<hbm>>
      %dma_wait3A_173 = arith.constant 5 : i32
      %dma_wait3A_174 = arith.constant 0 : i32
      %dma_wait3A_175 = tpu.memref_slice %arg15[%dma_wait3A_173, %dma_wait3A_174] : memref<16x512xf32, #tpu.memory_space<vmem>> -> memref<1x512xf32, #tpu.memory_space<vmem>>
      tpu.wait_dma2 semaphore(%arg17 : memref<!tpu.dma_semaphore, #tpu.memory_space<semaphore_mem>>) src(%dma_wait3A_175 : memref<1x512xf32, #tpu.memory_space<vmem>>) dst(%dma_wait3A_172 : memref<1x512xf32, #tpu.memory_space<hbm>>)
      %dma_wait3A_176 = arith.constant 6 : i32
      %dma_wait3A_177 = arith.constant 0 : i32
      %dma_wait3A_178 = tpu.memref_slice %arg15[%dma_wait3A_176, %dma_wait3A_177] : memref<16x512xf32, #tpu.memory_space<vmem>> -> memref<1x512xf32, #tpu.memory_space<vmem>>
      %dma_wait3A_179 = arith.constant 0 : i32
      %dma_wait3A_180 = tpu.memref_slice %arg10[%add3A, %dma_wait3A_179] : memref<16x512xf32, #tpu.memory_space<hbm>> -> memref<1x512xf32, #tpu.memory_space<hbm>>
      %dma_wait3A_181 = arith.constant 0 : i32
      %dma_wait3A_182 = tpu.memref_slice %arg10[%add3A, %dma_wait3A_181] : memref<16x512xf32, #tpu.memory_space<hbm>> -> memref<1x512xf32, #tpu.memory_space<hbm>>
      %dma_wait3A_183 = arith.constant 6 : i32
      %dma_wait3A_184 = arith.constant 0 : i32
      %dma_wait3A_185 = tpu.memref_slice %arg15[%dma_wait3A_183, %dma_wait3A_184] : memref<16x512xf32, #tpu.memory_space<vmem>> -> memref<1x512xf32, #tpu.memory_space<vmem>>
      tpu.wait_dma2 semaphore(%arg17 : memref<!tpu.dma_semaphore, #tpu.memory_space<semaphore_mem>>) src(%dma_wait3A_185 : memref<1x512xf32, #tpu.memory_space<vmem>>) dst(%dma_wait3A_182 : memref<1x512xf32, #tpu.memory_space<hbm>>)
      %dma_wait3A_186 = arith.constant 7 : i32
      %dma_wait3A_187 = arith.constant 0 : i32
      %dma_wait3A_188 = tpu.memref_slice %arg15[%dma_wait3A_186, %dma_wait3A_187] : memref<16x512xf32, #tpu.memory_space<vmem>> -> memref<1x512xf32, #tpu.memory_space<vmem>>
      %dma_wait3A_189 = arith.constant 0 : i32
      %dma_wait3A_190 = tpu.memref_slice %arg11[%add3A, %dma_wait3A_189] : memref<16x512xf32, #tpu.memory_space<hbm>> -> memref<1x512xf32, #tpu.memory_space<hbm>>
      %dma_wait3A_191 = arith.constant 0 : i32
      %dma_wait3A_192 = tpu.memref_slice %arg11[%add3A, %dma_wait3A_191] : memref<16x512xf32, #tpu.memory_space<hbm>> -> memref<1x512xf32, #tpu.memory_space<hbm>>
      %dma_wait3A_193 = arith.constant 7 : i32
      %dma_wait3A_194 = arith.constant 0 : i32
      %dma_wait3A_195 = tpu.memref_slice %arg15[%dma_wait3A_193, %dma_wait3A_194] : memref<16x512xf32, #tpu.memory_space<vmem>> -> memref<1x512xf32, #tpu.memory_space<vmem>>
      tpu.wait_dma2 semaphore(%arg17 : memref<!tpu.dma_semaphore, #tpu.memory_space<semaphore_mem>>) src(%dma_wait3A_195 : memref<1x512xf32, #tpu.memory_space<vmem>>) dst(%dma_wait3A_192 : memref<1x512xf32, #tpu.memory_space<hbm>>)
      %mul3A_196 = arith.constant 8 : i32
      %mul3A_197 = arith.muli %add3A, %mul3A_196 : i32
      "tpu.region"() ({
        %run_scoped3A_198 = tpu.sem_alloc : memref<!tpu.dma_semaphore, #tpu.memory_space<semaphore_mem>>
        %dma_start3A_199 = arith.constant 0 : i32
        %dma_start3A_200 = tpu.memref_slice %arg16[%dma_start3A_199] : memref<16xi32, #tpu.memory_space<vmem>> -> memref<8xi32, #tpu.memory_space<vmem>>
        %dma_start3A_201 = tpu.memref_slice %arg12[%mul3A_197] : memref<128xi32, #tpu.memory_space<hbm>> -> memref<8xi32, #tpu.memory_space<hbm>>
        %dma_start3A_202 = tpu.memref_slice %arg12[%mul3A_197] : memref<128xi32, #tpu.memory_space<hbm>> -> memref<8xi32, #tpu.memory_space<hbm>>
        %dma_start3A_203 = arith.constant 0 : i32
        %dma_start3A_204 = tpu.memref_slice %arg16[%dma_start3A_203] : memref<16xi32, #tpu.memory_space<vmem>> -> memref<8xi32, #tpu.memory_space<vmem>>
        tpu.enqueue_dma source(%dma_start3A_204 : memref<8xi32, #tpu.memory_space<vmem>>) target(%dma_start3A_202 : memref<8xi32, #tpu.memory_space<hbm>>) target_semaphore(%run_scoped3A_198 : memref<!tpu.dma_semaphore, #tpu.memory_space<semaphore_mem>>)
        %dma_wait3A_205 = arith.constant 0 : i32
        %dma_wait3A_206 = tpu.memref_slice %arg16[%dma_wait3A_205] : memref<16xi32, #tpu.memory_space<vmem>> -> memref<8xi32, #tpu.memory_space<vmem>>
        %dma_wait3A_207 = tpu.memref_slice %arg12[%mul3A_197] : memref<128xi32, #tpu.memory_space<hbm>> -> memref<8xi32, #tpu.memory_space<hbm>>
        %dma_wait3A_208 = tpu.memref_slice %arg12[%mul3A_197] : memref<128xi32, #tpu.memory_space<hbm>> -> memref<8xi32, #tpu.memory_space<hbm>>
        %dma_wait3A_209 = arith.constant 0 : i32
        %dma_wait3A_210 = tpu.memref_slice %arg16[%dma_wait3A_209] : memref<16xi32, #tpu.memory_space<vmem>> -> memref<8xi32, #tpu.memory_space<vmem>>
        tpu.wait_dma2 semaphore(%run_scoped3A_198 : memref<!tpu.dma_semaphore, #tpu.memory_space<semaphore_mem>>) src(%dma_wait3A_210 : memref<8xi32, #tpu.memory_space<vmem>>) dst(%dma_wait3A_208 : memref<8xi32, #tpu.memory_space<hbm>>)
        tpu.yield
      }) : () -> ()
    } else {
    }
    return
  }
}

module attributes {stable_mosaic.version = 14 : i64} {
  func.func @_scores_body(%arg0: i32, %arg1: i32, %arg2: memref<1x256x512xf32, #tpu.memory_space<vmem>>, %arg3: memref<1x4096x512xf32, #tpu.memory_space<vmem>>, %arg4: memref<1x1x4096xf32, #tpu.memory_space<vmem>>) attributes {dimension_semantics = [#tpu.dimension_semantics<arbitrary>, #tpu.dimension_semantics<arbitrary>], iteration_bounds = array<i64: 16, 1>, scalar_prefetch = 0 : i64, scratch_operands = 0 : i64, tpu.core_type = #tpu.core_type<tc>, window_params = [{transform_indices = @transform_0, window_bounds = array<i64: 1, 256, 512>}, {transform_indices = @transform_1, window_bounds = array<i64: 1, 4096, 512>}, {transform_indices = @transform_2, window_bounds = array<i64: 1, 1, 4096>}]} {
    %get3A = arith.constant 0 : index
    %get3A_0 = arith.constant 0 : index
    %get3A_1 = arith.constant 0 : index
    %get3A_2 = vector.load %arg2[%get3A, %get3A_0, %get3A_1] : memref<1x256x512xf32, #tpu.memory_space<vmem>>, vector<1x256x512xf32>
    %get3A_3 = vector.shape_cast %get3A_2 : vector<1x256x512xf32> to vector<256x512xf32>
    %get3A_4 = arith.constant 0 : index
    %get3A_5 = arith.constant 0 : index
    %get3A_6 = arith.constant 0 : index
    %get3A_7 = vector.load %arg3[%get3A_4, %get3A_5, %get3A_6] : memref<1x4096x512xf32, #tpu.memory_space<vmem>>, vector<1x4096x512xf32>
    %get3A_8 = vector.shape_cast %get3A_7 : vector<1x4096x512xf32> to vector<4096x512xf32>
    %mul3A = arith.mulf %get3A_8, %get3A_8 : vector<4096x512xf32>
    %reduce_sum3A = arith.constant dense<0.000000e+00> : vector<4096xf32>
    %reduce_sum3A_9 = vector.multi_reduction <add>, %mul3A, %reduce_sum3A [1] : vector<4096x512xf32> to vector<4096xf32>
    %broadcast_in_dim3A = vector.shape_cast %reduce_sum3A_9 : vector<4096xf32> to vector<4096x1xf32>
    %reshape3A = vector.shape_cast %broadcast_in_dim3A : vector<4096x1xf32> to vector<1x4096xf32>
    %dot_general3A = arith.constant dense<0.000000e+00> : vector<256x4096xf32>
    %dot_general3A_10 = tpu.matmul %get3A_3, %get3A_8, %dot_general3A {dimension_numbers = #tpu.dot_dimension_numbers<[1], [1], [0], [0], [0, 0, 1, 0], [], []>, transpose_lhs_hint = false} : vector<256x512xf32>, vector<4096x512xf32>, vector<256x4096xf32> -> vector<256x4096xf32>
    %mul3A_11 = arith.mulf %get3A_3, %get3A_3 : vector<256x512xf32>
    %reduce_sum3A_12 = arith.constant dense<0.000000e+00> : vector<256xf32>
    %reduce_sum3A_13 = vector.multi_reduction <add>, %mul3A_11, %reduce_sum3A_12 [1] : vector<256x512xf32> to vector<256xf32>
    %broadcast_in_dim3A_14 = vector.shape_cast %reduce_sum3A_13 : vector<256xf32> to vector<256x1xf32>
    %sqrt3A = math.sqrt %broadcast_in_dim3A_14 : vector<256x1xf32>
    %div3A = arith.constant 1.000000e+00 : f32
    %div3A_15 = vector.broadcast %div3A : f32 to vector<256x1xf32>
    %div3A_16 = arith.divf %div3A_15, %sqrt3A : vector<256x1xf32>
    %mul3A_17 = vector.broadcast %div3A_16 : vector<256x1xf32> to vector<256x4096xf32>
    %mul3A_18 = arith.mulf %dot_general3A_10, %mul3A_17 : vector<256x4096xf32>
    %reduce_max3A = arith.constant dense<0xFF800000> : vector<4096xf32>
    %reduce_max3A_19 = vector.multi_reduction <maximumf>, %mul3A_18, %reduce_max3A [0] : vector<256x4096xf32> to vector<4096xf32>
    %broadcast_in_dim3A_20 = vector.shape_cast %reduce_max3A_19 : vector<4096xf32> to vector<1x4096xf32>
    %abs3A = math.absf %broadcast_in_dim3A_20 : vector<1x4096xf32>
    %mul3A_21 = arith.mulf %broadcast_in_dim3A_20, %abs3A : vector<1x4096xf32>
    %div3A_22 = arith.divf %mul3A_21, %reshape3A : vector<1x4096xf32>
    %swap3A = arith.constant 0 : index
    %swap3A_23 = arith.constant 0 : index
    %swap3A_24 = arith.constant 0 : index
    %swap3A_25 = vector.load %arg4[%swap3A, %swap3A_23, %swap3A_24] : memref<1x1x4096xf32, #tpu.memory_space<vmem>>, vector<1x1x4096xf32>
    %swap3A_26 = vector.shape_cast %swap3A_25 : vector<1x1x4096xf32> to vector<1x4096xf32>
    %swap3A_27 = vector.shape_cast %div3A_22 : vector<1x4096xf32> to vector<1x1x4096xf32>
    tpu.vector_store %arg4[%swap3A, %swap3A_23, %swap3A_24], %swap3A_27 {strides = array<i32>} : memref<1x1x4096xf32, #tpu.memory_space<vmem>>, vector<1x1x4096xf32>,
    return
  }
  func.func @transform_0(%arg0: i32, %arg1: i32) -> (i32, i32, i32) {
    %c0_i32 = arith.constant 0 : i32
    %c0_i32_0 = arith.constant 0 : i32
    %c0_i32_1 = arith.constant 0 : i32
    return %arg0, %c0_i32, %c0_i32_0 : i32, i32, i32
  }
  func.func @transform_1(%arg0: i32, %arg1: i32) -> (i32, i32, i32) {
    %c0_i32 = arith.constant 0 : i32
    %c0_i32_0 = arith.constant 0 : i32
    return %arg0, %arg1, %c0_i32 : i32, i32, i32
  }
  func.func @transform_2(%arg0: i32, %arg1: i32) -> (i32, i32, i32) {
    %c0_i32 = arith.constant 0 : i32
    %c0_i32_0 = arith.constant 0 : i32
    return %arg0, %c0_i32, %arg1 : i32, i32, i32
  }
}

</mosaic_0001>

<sc_bundles>
// kernel: kernel.4.cloned.1.call-start
scs
__scs_entry_jumppad:
0x0: {  	(pc) =	sbr.rel $0x88, $3  }
0x1: {  	(tag) =	ssettag $0x0;
	lr =	simm.s32 $0x1  }
0x2: {  	[smem:$0x3F9F] =	sst lr;
	_ =	strace $0xD0000000  }
0x3: {  	_ = 	snop  }
0x4: {  	_ = 	snop  }
0x5: {  	_ = 	snop  }
0x6: {  	_ = 	snop  }
0x7: {  	_ = 	snop  }
__scs_overlays_trampoline_lowered:
0x8: {  	[smem:$0x3FAE] =	sst s0  }
0x9: {  	[smem:$0x3FAF] =	sst s1  }
0xa: {  	[smem:$0x3FB0] =	sst s2  }
0xb: {  	[smem:$0x3FB1] =	sst s3  }
0xc: {  	[smem:$0x3FB2] =	sst s4  }
0xd: {  	[smem:$0x3FB3] =	sst s5  }
0xe: {  	[smem:$0x3FB4] =	sst s6  }
0xf: {  	[smem:$0x3FB5] =	sst s7  }
0x10: {  	[smem:$0x3FB6] =	sst s8  }
0x11: {  	[smem:$0x3FB7] =	sst s9;
	s0 =	simm.s32 @!p0 $0x0  }
0x12: {  	s1 =	sld [smem:$0x3F9D];
	s0 =	simm.s32 @p0 $0x1  }
0x13: {  	[smem:$0x3FB8] =	sst s0;
	s0 =	simm.s32 @!p1 $0x0  }
0x14: {  	s2 =	sld [smem:$0x3F9C];
	s0 =	simm.s32 @p1 $0x1  }
0x15: {  	[smem:$0x3FB9] =	sst s0;
	s0 =	simm.s32 @!p2 $0x0  }
0x16: {  	s3 =	sld [smem:$0x3FDB];
	s0 =	simm.s32 @p2 $0x1  }
0x17: {  	s4 =	simm.s32 $0x1BF5;
	[smem:$0x3FBB] =	sst s0  }
0x18: {  	s0 =	sld [smem:$0x3F9E];
	_ =	swait.ge [sflag:s4], $0x0  }
0x19: {  	s7 =	sld [smem:$0x3F9F]  }
0x1a: {  	s8 =	sadd.s32 $0xFFFFE003, lr  }
0x1b: {  	s9 =	sadd.s32 $0xFFFFFEF7, lr;
	s5 =	simm.s32 $0xFFFFFFFF;
	p2 =	slt.u32 s8, $0xFFFFF086  }
0x1c: {  	p1 =	slt.u32 s9, $0xF7A;
	s5 =	simm.s32 @!p2 $0x0  }
0x1d: {  	s5 =	simm.s32 @p1 $0x1;
	p0 =	seq.s32 s7, s2  }
0x1e: {  	s7 =	smul.u32 @!p0 $0xF7A, s2;
	p2 =	seq.s32 @!p0 s5, $0x0  }
0x1f: {  	s9 =	smul.u32 $0xF7A, s1;
	s8 =	simm.s32 @!p0 $0x1BF5;
	p2 =	por !p2, p0  }
0x20: {  	[sflag:s8] =	ssyncset.s32 @!p0 $0xFFFFF086;
	s6 =	sadd.s32 @!p0 s3, s7;
	s7 =	simm.s32 @!p0 $0x108  }
0x21: {  	s3 =	sadd.s32 s3, s9;
	s6 =	sadd.s32 @!p0 $0x88, s6;
	s7 =	simm.s32 @p2 $0x1082  }
0x22: {  	[simem:s7], [sflag:s8] =	dma.local @!p0 [hbm:s6], $0xF7A  }
0x23: {  	s9 =	sor.u32 $0xD0000000, s2;
	s6 =	simm.s32 $0x108;
	_ =	swait.ge @!p0 [sflag:s8], $0x0  }
0x24: {  	s3 =	sadd.s32 $0x88, s3;
	s6 =	simm.s32 @!p1 $0x1082;
	[sflag:s4] =	ssyncset.s32 $0xFFFFF086  }
0x25: {  	[simem:s6], [sflag:s4] =	dma.local [hbm:s3], $0xF7A  }
0x26: {  	[smem:$0x3F9F] =	sst s1;
	(tag) =	ssettag s2;
	_ =	strace s9  }
0x27: {  	s1 =	sld [smem:$0x3FAF]  }
0x28: {  	s2 =	sld [smem:$0x3FB0]  }
0x29: {  	s4 =	sld [smem:$0x3FB2]  }
0x2a: {  	p0 =	seq.s32 s5, $0x0;
	s5 =	sld [smem:$0x3FB3]  }
0x2b: {  	s6 =	sld [smem:$0x3FB4]  }
0x2c: {  	s7 =	sld [smem:$0x3FB5]  }
0x2d: {  	s3 =	simm.s32 $0x108;
	s8 =	sld [smem:$0x3FB6]  }
0x2e: {  	s3 =	simm.s32 @!p0 $0x1082;
	s9 =	sld [smem:$0x3FB7]  }
0x2f: {  	lr =	sadd.s32 s0, s3;
	s0 =	sld [smem:$0x3FAE]  }
0x30: {  	s3 =	sld [smem:$0x3FB1]  }
0x31: {  	[smem:$0x3FBA] =	sst s10  }
0x32: {  	s10 =	sld [smem:$0x3FB8];
	_ =	sdelay $0x3  }
0x33: {  	p0 =	seq.s32 s10, $0x1;
	s10 =	sld [smem:$0x3FBA];
	_ =	sdelay $0x3  }
0x34: {  	[smem:$0x3FBA] =	sst s10  }
0x35: {  	s10 =	sld [smem:$0x3FB9];
	_ =	sdelay $0x3  }
0x36: {  	p1 =	seq.s32 s10, $0x1;
	s10 =	sld [smem:$0x3FBA];
	_ =	sdelay $0x3  }
0x37: {  	[smem:$0x3FBA] =	sst s10  }
0x38: {  	s10 =	sld [smem:$0x3FBB]  }
0x39: {  	_ = 	snop;
	(pc) =	sbr.ind lr, $3  }
0x3a: {  	_ = 	snop  }
0x3b: {  	_ = 	snop  }
0x3c: {  	p2 =	seq.s32 s10, $0x1;
	s10 =	sld [smem:$0x3FBA]  }
0x3d: {  	_ =	shalt  }
0x3e: {  	_ =	shalt  }
0x3f: {  	_ =	shalt  }
0x40: {  	_ =	shalt  }
0x41: {  	_ =	shalt  }
0x42: {  	_ =	shalt  }
0x43: {  	_ =	shalt  }
0x44: {  	_ =	shalt  }
0x45: {  	_ =	shalt  }
0x46: {  	_ =	shalt  }
0x47: {  	_ =	shalt  }
0x48: {  	_ =	shalt  }
0x49: {  	_ =	shalt  }
0x4a: {  	_ =	shalt  }
0x4b: {  	_ =	shalt  }
0x4c: {  	_ =	shalt  }
0x4d: {  	_ =	shalt  }
0x4e: {  	_ =	shalt  }
0x4f: {  	_ =	shalt  }
0x50: {  	_ =	shalt  }
0x51: {  	_ =	shalt  }
0x52: {  	_ =	shalt  }
0x53: {  	_ =	shalt  }
0x54: {  	_ =	shalt  }
0x55: {  	_ =	shalt  }
0x56: {  	_ =	shalt  }
0x57: {  	_ =	shalt  }
0x58: {  	_ =	shalt  }
0x59: {  	_ =	shalt  }
0x5a: {  	_ =	shalt  }
0x5b: {  	_ =	shalt  }
0x5c: {  	_ =	shalt  }
0x5d: {  	_ =	shalt  }
0x5e: {  	_ =	shalt  }
0x5f: {  	_ =	shalt  }
0x60: {  	_ =	shalt  }
0x61: {  	_ =	shalt  }
0x62: {  	_ =	shalt  }
0x63: {  	_ =	shalt  }
0x64: {  	_ =	shalt  }
0x65: {  	_ =	shalt  }
0x66: {  	_ =	shalt  }
0x67: {  	_ =	shalt  }
0x68: {  	_ =	shalt  }
0x69: {  	_ =	shalt  }
0x6a: {  	_ =	shalt  }
0x6b: {  	_ =	shalt  }
0x6c: {  	_ =	shalt  }
0x6d: {  	_ =	shalt  }
0x6e: {  	_ =	shalt  }
0x6f: {  	_ =	shalt  }
0x70: {  	_ =	shalt  }
0x71: {  	_ =	shalt  }
0x72: {  	_ =	shalt  }
0x73: {  	_ =	shalt  }
0x74: {  	_ =	shalt  }
0x75: {  	_ =	shalt  }
0x76: {  	_ =	shalt  }
0x77: {  	_ =	shalt  }
0x78: {  	_ =	shalt  }
0x79: {  	_ =	shalt  }
0x7a: {  	_ =	shalt  }
0x7b: {  	_ =	shalt  }
0x7c: {  	_ =	shalt  }
0x7d: {  	_ =	shalt  }
0x7e: {  	_ =	shalt  }
0x7f: {  	_ =	shalt  }
0x80: {  	_ =	shalt  }
0x81: {  	_ =	shalt  }
0x82: {  	_ =	shalt  }
0x83: {  	_ =	shalt  }
0x84: {  	_ =	shalt  }
0x85: {  	_ =	shalt  }
0x86: {  	_ =	shalt  }
0x87: {  	_ =	shalt  }
.Lfunc_end0:
.L_simem_size_0:
called_computation_lowered:
.L_overlay_start_0:
0x88: {  	s2 =	sld [smem:$0x3FD9]  }
0x89: {  	s3 =	sld [smem:$0x3FFE];
	_ =	sdelay $0x1  }
0x8a: {  	s1 =	srdreg.scid  }
0x8b: {  	s0 =	sand.u32 $0x1, s1  }
0x8c: {  	s29 =	sshll.u32 s0, $0xA;
	s2 =	sadd.s32 s3, s2  }
0x8d: {  	s2 =	sadd.s32 s2, s29  }
0x8e: {  	[smem:$0x3FC6] =	sst s2  }
0x8f: {  	_ = 	snop  }
0x90: {  	s30 =	sld [smem:$0x3FD0];
	_ =	sdelay $0x2  }
0x91: {  	s4 =	simm.s32 $0xA;
	s5 =	simm.s32 $0x10;
	s2 =	sld [smem:$0x3FC8]  }
0x92: {  	[smem:s5], [sflag:s4] =	dma.local [hbm:s30], $0x1  }
0x93: {  	_ =	swait.eq [sflag:s4], $0x1  }
0x94: {  	s6 =	sld [smem:$0x10]  }
0x95: {  	s7 =	sld [smem:$0x11]  }
0x96: {  	s8 =	sld [smem:$0x12]  }
0x97: {  	s9 =	sld [smem:$0x13]  }
0x98: {  	s10 =	sld [smem:$0x14]  }
0x99: {  	s11 =	sld [smem:$0x15];
	[sflag:s4] =	ssyncset.done $0x0  }
0x9a: {  	s12 =	sld [smem:$0x16];
	[sflag:s4] =	ssyncadd.s32 $0xFFFFFFFF  }
0x9b: {  	s3 =	sadd.s32 $0x1, s30;
	s13 =	sld [smem:$0x17]  }
0x9c: {  	[smem:s5], [sflag:s4] =	dma.local [hbm:s3], $0x1  }
0x9d: {  	_ =	swait.eq [sflag:s4], $0x1  }
0x9e: {  	[sflag:s4] =	ssyncset.done $0x0  }
0x9f: {  	[sflag:s4] =	ssyncadd.s32 $0xFFFFFFFF  }
0xa0: {  	s31 =	sld [smem:$0x10];
	(tm) =	ssettm $0x1  }
0xa1: {  	s17 =	sld [smem:$0x3FFB];
	_ =	sdelay $0x3  }
0xa2: {  	_ =	strace s17  }
0xa3: {  	s4 =	sld [smem:$0x3FFC];
	_ =	sdelay $0x3  }
0xa4: {  	_ =	strace s4  }
0xa5: {  	s4 =	sld [smem:$0x3FFD];
	_ =	sdelay $0x3  }
0xa6: {  	_ =	strace s4  }
0xa7: {  	_ =	strace $0x8FFFFFFF  }
0xa8: {  	s18 =	sld [smem:$0x3FDB];
	_ =	sdelay $0x1  }
0xa9: {  	s19 =	simm.s32 $_scs_section_size  }
0xaa: {  	s14 =	simm.s32 $_size__tile_overlayer_lowered;
	s15 =	simm.s32 $_tile_overlayer_lowered  }
0xab: {  	s22 =	simm.s32 $0x1BFF;
	s21 =	sshll.u32 s15, $0x1;
	s4 =	sadd.s32 s19, s18  }
0xac: {  	s16 =	simm.s32 $0x0;
	s20 =	sshll.u32 s14, $0x1;
	s14 =	sadd.s32 s21, s4  }
0xad: {  	[timem:s16], [sflag:s22] =	dma.local [hbm:s14], s20  }
0xae: {  	_ =	swait.ge [sflag:s22], s20  }
0xaf: {  	s5 =	ssub.s32 $0x0, s20;
	[sflag:s22] =	ssyncset.done $0x0  }
0xb0: {  	[sflag:s22] =	ssyncadd.s32 s5;
	_ =	sdelay $0x1  }
0xb1: {  	s23 =	simm.s32 $0x1B8B  }
0xb2: {  	_ =	swait.ge [sflag:s23], $0x1  }
0xb3: {  	[sflag:s23] =	ssyncset.done $0x0  }
0xb4: {  	s25 =	simm.s32 $0x1B8E;
	s24 =	sld [smem:$0x3FFE];
	[sflag:s23] =	ssyncadd.s32 $0xFFFFFFFF  }
0xb5: {  	s26 =	simm.s32 $execute0_lowered;
	[smem:$0x3FD2] =	sst s25  }
0xb6: {  	s14 =	sshll.u32 s26, $0x1;
	_ =	strace $0x80000046;
	[dreg:$0x1] =	wrdreg $0xFFFFFFFF  }
0xb7: {  	s28 =	simm.s32 $_size_execute0_lowered;
	s4 =	sadd.s32 s4, s14;
	[dreg:$0x0] =	wrdreg $0x0  }
0xb8: {  	s14 =	sshll.u32 s28, $0x1;
	[dreg:$0x2] =	wrdreg s4  }
0xb9: {  	[dreg:$0x3] =	wrdreg s14  }
0xba: {  	[dreg:$0x4] =	wrdreg $0xC0  }
0xbb: {  	_ =	task [dreg:s16], $0x5FFFF  }
0xbc: {  	[dreg:$0x1] =	wrdreg $0xFFFFFFFF  }
0xbd: {  	[dreg:$0x0] =	wrdreg $0x60  }
0xbe: {  	[dreg:$0x2] =	wrdreg s24  }
0xbf: {  	[dreg:$0x3] =	wrdreg s2  }
0xc0: {  	[dreg:$0x4] =	wrdreg s6  }
0xc1: {  	[dreg:$0x5] =	wrdreg s7  }
0xc2: {  	[dreg:$0x6] =	wrdreg s8  }
0xc3: {  	[dreg:$0x7] =	wrdreg s9  }
0xc4: {  	[dreg:$0x8] =	wrdreg s10  }
0xc5: {  	[dreg:$0x9] =	wrdreg s11  }
0xc6: {  	[dreg:$0xa] =	wrdreg s12  }
0xc7: {  	[dreg:$0xb] =	wrdreg s13  }
0xc8: {  	[dreg:$0xc] =	wrdreg s31  }
0xc9: {  	[dreg:$0xd] =	wrdreg $0x9  }
0xca: {  	_ =	task.clear_ibuf [dreg:s16], $0xEFFFF;
	_ =	strace $0x90000046  }
0xcb: {  	s29 =	simm.s32 $0x9;
	_ =	strace $0x80000048  }
0xcc: {  	_ =	swait.ge [sflag:s29], $0x1  }
0xcd: {  	[sflag:s29] =	ssyncadd.s32 $0xFFFFFFFF  }
0xce: {  	_ =	strace $0x90000048  }
0xcf: {  	_ =	sfence  }
0xd0: {  	s30 =	sld [smem:$0x0];
	_ =	sdelay $0x2  }
0xd1: {  	s31 =	sshll.u32 s1, $0xD;
	s1 =	sshrl.u32 s1, $0x2  }
0xd2: {  	s3 =	sand.u32 $0x4000, s31;
	s1 =	sadd.s32 s1, s30  }
0xd3: {  	s0 =	sor.u32 s3, s0;
	s1 =	sshll.u32 s1, $0x11  }
0xd4: {  	s0 =	sor.u32 s1, s0  }
0xd5: {  	s0 =	sadd.s32 $0x8F2B, s0  }
0xd6: {  	[sflag:s0] =	ssyncadd.remote.s32 $0x1  }
0xd7: {  	_ =	sfence.sel $0xFFFF  }
0xd8: {  	[dreg:$0x0] =	wrdreg $0xFFFFFFFF;
	(pc) =	sbr.abs _section_cstart, $3  }
0xd9: {  	[dreg:$0x1] =	wrdreg $0xFFFFFFFF  }
0xda: {  	_ =	task.clear_ibuf [dreg:s16], $0x2FFFF;
	_ =	strace $0x9FFFFFFF  }
0xdb: {  	(tm) =	ssettm $0x7FFFFFFF  }
tec
execute0_lowered:
.L_overlay_start_1:
0x0: {  	(tag) =	ssettag $0x1  }
0x1: {  	s4 =	rddreg [dreg:$0x0]  }
0x2: {  	s5 =	rddreg [dreg:$0x2]  }
0x3: {  	s6 =	rddreg [dreg:$0x3]  }
0x4: {  	s7 =	rddreg [dreg:$0x4]  }
0x5: {  	s8 =	rddreg [dreg:$0x5];
	s10 =	stileid.u32  }
0x6: {  	s9 =	rddreg [dreg:$0x6];
	p0 =	sgt.u32 s10, $0x7  }
.Ltmp0:
0x7: {  	s2 =	rddreg [dreg:$0x7];
	(pc) =	sbr.rel @p0 .LBB2_5-.Ltmp0, $4  }
0x8: {  	s11 =	rddreg [dreg:$0x8]  }
0x9: {  	s0 =	rddreg [dreg:$0x9];
	s3 =	simm.s32 $0x0  }
0xa: {  	[smem:$0x7FF] =	sst s3  }
0xb: {  	s1 =	rddreg [dreg:$0xa];
	_ =	strace $0x80000047  }
0xc: {  	s10 =	srdreg.scid;
	s12 =	stileid.u32  }
0xd: {  	s16 =	sadd.s32 $0xC00, s4;
	s26 =	rddreg [dreg:$0x1];
	s17 =	simm.s32 $0x1080  }
0xe: {  	s18 =	simm.s32 $0x1880;
	s19 =	simm.s32 $0x1;
	s31 =	simm.s32 $0x1380  }
0xf: {  	s22 =	simm.s32 $0x1800;
	s23 =	simm.s32 $0x1C00;
	s24 =	simm.s32 $0x2000  }
0x10: {  	s25 =	simm.s32 $0x3080;
	s10 =	sand.u32 $0x1, s10;
	s12 =	sshll.u32 s12, $0x1  }
0x11: {  	s4 =	sadd.s32 $0x100, s26;
	s26 =	simm.s32 $0x0;
	s13 =	sor.u32 s10, s12  }
0x12: {  	s28 =	ssub.s32 $0x2, s10;
	s14 =	sshll.u32 s13, $0x9;
	s12 =	sshll.u32 s13, $0x7  }
0x13: {  	s21 =	sshll.u32 s13, $0xC;
	s29 =	sshrl.u32 s28, $0x1;
	s13 =	sadd.s32 s1, s13  }
0x14: {  	s1 =	simm.s32 $0x1780;
	s15 =	sand.u32 $0x1000, s14;
	s12 =	sand.u32 $0x380, s12  }
0x15: {  	s30 =	ssub.s32 s28, s29;
	s14 =	sadd.s32 s16, s14;
	s12 =	sor.u32 s12, s15  }
0x16: {  	s16 =	simm.s32 $0x2;
	v1 =	vmov s21;
	s21 =	simm.s32 $0x1400;
	s12 =	sshrl.u32 s12, $0x3  }
0x17: {  	v0 =	vlaneseq.u32;
	s15 =	smax.u32 s30, $0x1;
	s5 =	sadd.s32 s5, s12;
	s6 =	sadd.s32 s6, s12  }
0x18: {  	v2 =	vmul.u32 $0xFFFFFFFF, v0;
	s7 =	sadd.s32 s7, s12;
	s8 =	sadd.s32 s8, s12;
	s9 =	sadd.s32 s9, s12  }
0x19: {  	vm0 =	vmmov $0xffff;
	v4 =	vshrl.u32 v0, $0x3;
	s10 =	sadd.s32 s2, s12;
	s11 =	sadd.s32 s11, s12;
	s12 =	sadd.s32 s0, s12  }
0x1a: {  	v3 =	vand.u32 $0x7, v0;
	v4 =	vmul.u32 $0x8, v4;
	v2 =	vadd.s32 $0xF, v2;
	s2 =	simm.s32 $0x1B80;
	s0 =	simm.s32 $0x1F80;
	s20 =	sadd.s32 $0x80, s5  }
.LBB2_2:
0x1b: {  	s28 =	simm.s32 $0x0  }
0x1c: {  	[tilespmem:s28], [sflag:$0x2] =	stream.linear.gather [hbm4b:s14+s28], $0x1000, $0x38;
	[tilespmem:$0x3100] =	vst v63  }
0x1d: {  	_ =	swait.ge [sflag:s16], $0x1000  }
0x1e: {  	[sflag:s16] =	ssyncset.done $0x0  }
0x1f: {  	[sflag:s16] =	ssyncadd.s32 $0xFFFFF000  }
0x20: {  	v5 =	vld [tilespmem:s28+$0x0];
	_ =	sdelay $0x3  }
0x21: {  	v6 =	vor.u32 s28, v0  }
0x22: {  	(xrf1) =	vsort.dscd.msk.f32 $0xffff, v5, v6;
	_ =	sdelay $0xb  }
0x23: {  	s28 =	simm.s32 $0x10  }
0x24: {  	v9 =	vld [tilespmem:s28+$0x0]  }
0x25: {  	v8 =	vimm.f32 $-Inf;
	s29 =	simm.s32 $0x20;
	s30 =	simm.s32 $0x10;
	v6 =	vimm.s32 $0x0;
	v7, v5, _ =	vpop (xrf1)  }
.LBB2_3:
0x26: {  	p0 =	sne.s32 s29, $0xFF0;
	vm1 =	veq.f32 v7, v8;
	vm2 =	vlt.s32 v5, v6  }
0x27: {  	vm3 =	vgt.f32 v7, v8;
	vm1 =	vmand vm1, vm2  }
0x28: {  	v10 =	vor.u32 s28, v0;
	s28 =	smov.u32 s29;
	vm1 =	vmor vm3, vm1  }
0x29: {  	(xrf1) =	vsort.dscd.msk.f32 $0xffff, v9, v10;
	v7 =	vsel vm1, v7, v8;
	v5 =	vsel vm1, v5, v6  }
0x2a: {  	(xrf1) =	vsort.ascd.msk.f32 $0xffff, v7, v5;
	_ =	sdelay $0x9  }
.Ltmp1:
0x2b: {  	(pc) =	sbr.rel @p0 .LBB2_3-.Ltmp1, $4  }
0x2c: {  	_ = 	snop  }
0x2d: {  	s30 =	sadd.s32 $0x10, s30  }
0x2e: {  	v9 =	vld [tilespmem:s30+$0x0];
	v7, v5, _ =	vpop (xrf1)  }
0x2f: {  	s29 =	sadd.s32 $0x10, s29;
	v8, v6, _ =	vpop (xrf1)  }
0x30: {  	vm1 =	veq.f32 v7, v8;
	vm2 =	vlt.s32 v5, v6  }
0x31: {  	vm3 =	vgt.f32 v7, v8;
	vm1 =	vmand vm1, vm2  }
0x32: {  	v10 =	vor.u32 s28, v0;
	vm1 =	vmor vm3, vm1  }
0x33: {  	(xrf1) =	vsort.dscd.msk.f32 $0xffff, v9, v10;
	v7 =	vsel vm1, v7, v8;
	v5 =	vsel vm1, v5, v6  }
0x34: {  	(xrf1) =	vsort.ascd.msk.f32 $0xffff, v7, v5;
	_ =	sdelay $0xc  }
0x35: {  	v5, v6, _ =	vpop (xrf1)  }
0x36: {  	v7, v8, _ =	vpop (xrf1)  }
0x37: {  	vm1 =	veq.f32 v5, v7;
	vm2 =	vlt.s32 v6, v8  }
0x38: {  	vm3 =	vgt.f32 v5, v7;
	vm1 =	vmand vm1, vm2  }
0x39: {  	vm1 =	vmor vm3, vm1  }
0x3a: {  	v5 =	vsel vm1, v5, v7;
	v6 =	vsel vm1, v6, v8  }
0x3b: {  	(xrf1) =	vsort.ascd.msk.f32 $0xffff, v5, v6;
	_ =	sdelay $0xd  }
0x3c: {  	v5, v6, _ =	vpop (xrf1)  }
0x3d: {  	v5 =	vperm.xlane v6, v2;
	_ =	sdelay $0x1  }
0x3e: {  	v6 =	vadd.s32 v1, v5  }
0x3f: {  	[tilespmem:$0x1000] =	vst v6  }
0x40: {  	v6 =	vld.msk [tilespmem:$0x1000], $0xff;
	_ =	sdelay $0x4  }
0x41: {  	v7 =	vshll.u32 v6, $0x2  }
0x42: {  	v6 =	vand.u32 $0x7, v6;
	v7 =	vand.u32 $0xFFFFFFE0, v7  }
0x43: {  	v6 =	vor.u32 v6, v7  }
0x44: {  	v6 =	vperm.xlane v6, v3;
	_ =	sdelay $0x1  }
0x45: {  	v6 =	vadd.s32 v4, v6;
	_ =	sdelay $0x3  }
0x46: {  	s29 =	rddreg [dreg:$0x1];
	[tilespmem:$0x3080] =	vst v5  }
0x47: {  	[tilespmem:s17], [sflag:$0x1] =	stream.indirect_vreg.gather [hbm4b:s29+s3], $0x80, v6, vm0, $0xb8;
	[tilespmem:$0x3100] =	vst v63  }
0x48: {  	_ = 	snop  }
0x49: {  	[tilespmem:s18], [sflag:$0x1] =	stream.indirect_vreg.gather [hbm4b:s4+s3], $0x80, v6, vm0, $0xb8;
	[tilespmem:$0x3100] =	vst v63  }
0x4a: {  	_ =	swait.ge [sflag:s19], $0x1000  }
0x4b: {  	[sflag:s19] =	ssyncset.done $0x0  }
0x4c: {  	[sflag:s19] =	ssyncadd.s32 $0xFFFFF000  }
0x4d: {  	[hbm4b:s5+s3] =	stream.linear.scatter [tilespmem:s17], [sflag:$0x1], $0x80, $0x38;
	[tilespmem:$0x3100] =	vst v63  }
0x4e: {  	s30 =	simm.s32 $0x1480  }
0x4f: {  	[hbm4b:s20+s3] =	stream.linear.scatter [tilespmem:s30], [sflag:$0x1], $0x80, $0x38;
	[tilespmem:$0x3100] =	vst v63  }
0x50: {  	s29 =	sadd.s32 $0x100, s5  }
0x51: {  	[hbm4b:s29+s3] =	stream.linear.scatter [tilespmem:s18], [sflag:$0x1], $0x80, $0x38;
	[tilespmem:$0x3100] =	vst v63  }
0x52: {  	s30 =	sadd.s32 $0x180, s5;
	s29 =	simm.s32 $0x1C80  }
0x53: {  	[hbm4b:s30+s3] =	stream.linear.scatter [tilespmem:s29], [sflag:$0x1], $0x80, $0x38;
	[tilespmem:$0x3100] =	vst v63  }
0x54: {  	s29 =	simm.s32 $0x1100  }
0x55: {  	[hbm4b:s6+s3] =	stream.linear.scatter [tilespmem:s29], [sflag:$0x1], $0x80, $0x38;
	[tilespmem:$0x3100] =	vst v63  }
0x56: {  	s28 =	sadd.s32 $0x80, s6;
	s30 =	simm.s32 $0x1500  }
0x57: {  	[hbm4b:s28+s3] =	stream.linear.scatter [tilespmem:s30], [sflag:$0x1], $0x80, $0x38;
	[tilespmem:$0x3100] =	vst v63  }
0x58: {  	s28 =	sadd.s32 $0x100, s6;
	s30 =	simm.s32 $0x1900  }
0x59: {  	[hbm4b:s28+s3] =	stream.linear.scatter [tilespmem:s30], [sflag:$0x1], $0x80, $0x38;
	[tilespmem:$0x3100] =	vst v63  }
0x5a: {  	s28 =	sadd.s32 $0x180, s6;
	s30 =	simm.s32 $0x1D00  }
0x5b: {  	[hbm4b:s28+s3] =	stream.linear.scatter [tilespmem:s30], [sflag:$0x1], $0x80, $0x38;
	[tilespmem:$0x3100] =	vst v63  }
0x5c: {  	s29 =	simm.s32 $0x1180  }
0x5d: {  	[hbm4b:s7+s3] =	stream.linear.scatter [tilespmem:s29], [sflag:$0x1], $0x80, $0x38;
	[tilespmem:$0x3100] =	vst v63  }
0x5e: {  	s28 =	sadd.s32 $0x80, s7;
	s30 =	simm.s32 $0x1580  }
0x5f: {  	[hbm4b:s28+s3] =	stream.linear.scatter [tilespmem:s30], [sflag:$0x1], $0x80, $0x38;
	[tilespmem:$0x3100] =	vst v63  }
0x60: {  	s28 =	sadd.s32 $0x100, s7;
	s30 =	simm.s32 $0x1980  }
0x61: {  	[hbm4b:s28+s3] =	stream.linear.scatter [tilespmem:s30], [sflag:$0x1], $0x80, $0x38;
	[tilespmem:$0x3100] =	vst v63  }
0x62: {  	s28 =	sadd.s32 $0x180, s7;
	s30 =	simm.s32 $0x1D80  }
0x63: {  	[hbm4b:s28+s3] =	stream.linear.scatter [tilespmem:s30], [sflag:$0x1], $0x80, $0x38;
	[tilespmem:$0x3100] =	vst v63  }
0x64: {  	s29 =	simm.s32 $0x1200  }
0x65: {  	[hbm4b:s8+s3] =	stream.linear.scatter [tilespmem:s29], [sflag:$0x1], $0x80, $0x38;
	[tilespmem:$0x3100] =	vst v63  }
0x66: {  	s28 =	sadd.s32 $0x80, s8;
	s30 =	simm.s32 $0x1600  }
0x67: {  	[hbm4b:s28+s3] =	stream.linear.scatter [tilespmem:s30], [sflag:$0x1], $0x80, $0x38;
	[tilespmem:$0x3100] =	vst v63  }
0x68: {  	s28 =	sadd.s32 $0x100, s8;
	s30 =	simm.s32 $0x1A00  }
0x69: {  	[hbm4b:s28+s3] =	stream.linear.scatter [tilespmem:s30], [sflag:$0x1], $0x80, $0x38;
	[tilespmem:$0x3100] =	vst v63  }
0x6a: {  	s28 =	sadd.s32 $0x180, s8;
	s30 =	simm.s32 $0x1E00  }
0x6b: {  	[hbm4b:s28+s3] =	stream.linear.scatter [tilespmem:s30], [sflag:$0x1], $0x80, $0x38;
	[tilespmem:$0x3100] =	vst v63  }
0x6c: {  	s29 =	simm.s32 $0x1280  }
0x6d: {  	[hbm4b:s9+s3] =	stream.linear.scatter [tilespmem:s29], [sflag:$0x1], $0x80, $0x38;
	[tilespmem:$0x3100] =	vst v63  }
0x6e: {  	s28 =	sadd.s32 $0x80, s9;
	s30 =	simm.s32 $0x1680  }
0x6f: {  	[hbm4b:s28+s3] =	stream.linear.scatter [tilespmem:s30], [sflag:$0x1], $0x80, $0x38;
	[tilespmem:$0x3100] =	vst v63  }
0x70: {  	s28 =	sadd.s32 $0x100, s9;
	s30 =	simm.s32 $0x1A80  }
0x71: {  	[hbm4b:s28+s3] =	stream.linear.scatter [tilespmem:s30], [sflag:$0x1], $0x80, $0x38;
	[tilespmem:$0x3100] =	vst v63  }
0x72: {  	s28 =	sadd.s32 $0x180, s9;
	s30 =	simm.s32 $0x1E80  }
0x73: {  	[hbm4b:s28+s3] =	stream.linear.scatter [tilespmem:s30], [sflag:$0x1], $0x80, $0x38;
	[tilespmem:$0x3100] =	vst v63  }
0x74: {  	s29 =	simm.s32 $0x1300  }
0x75: {  	[hbm4b:s10+s3] =	stream.linear.scatter [tilespmem:s29], [sflag:$0x1], $0x80, $0x38;
	[tilespmem:$0x3100] =	vst v63  }
0x76: {  	s28 =	sadd.s32 $0x80, s10;
	s30 =	simm.s32 $0x1700  }
0x77: {  	[hbm4b:s28+s3] =	stream.linear.scatter [tilespmem:s30], [sflag:$0x1], $0x80, $0x38;
	[tilespmem:$0x3100] =	vst v63  }
0x78: {  	s28 =	sadd.s32 $0x100, s10;
	s30 =	simm.s32 $0x1B00  }
0x79: {  	[hbm4b:s28+s3] =	stream.linear.scatter [tilespmem:s30], [sflag:$0x1], $0x80, $0x38;
	[tilespmem:$0x3100] =	vst v63  }
0x7a: {  	s28 =	sadd.s32 $0x180, s10;
	s30 =	simm.s32 $0x1F00  }
0x7b: {  	[hbm4b:s28+s3] =	stream.linear.scatter [tilespmem:s30], [sflag:$0x1], $0x80, $0x38;
	[tilespmem:$0x3100] =	vst v63  }
0x7c: {  	_ = 	snop  }
0x7d: {  	[hbm4b:s11+s3] =	stream.linear.scatter [tilespmem:s31], [sflag:$0x1], $0x80, $0x38;
	[tilespmem:$0x3100] =	vst v63  }
0x7e: {  	s29 =	sadd.s32 $0x80, s11  }
0x7f: {  	[hbm4b:s29+s3] =	stream.linear.scatter [tilespmem:s1], [sflag:$0x1], $0x80, $0x38;
	[tilespmem:$0x3100] =	vst v63  }
0x80: {  	s30 =	sadd.s32 $0x100, s11  }
0x81: {  	[hbm4b:s30+s3] =	stream.linear.scatter [tilespmem:s2], [sflag:$0x1], $0x80, $0x38;
	[tilespmem:$0x3100] =	vst v63  }
0x82: {  	s29 =	sadd.s32 $0x180, s11  }
0x83: {  	[hbm4b:s29+s3] =	stream.linear.scatter [tilespmem:s0], [sflag:$0x1], $0x80, $0x38;
	[tilespmem:$0x3100] =	vst v63  }
0x84: {  	_ = 	snop  }
0x85: {  	[hbm4b:s12+s3] =	stream.linear.scatter [tilespmem:s21], [sflag:$0x1], $0x80, $0x38;
	[tilespmem:$0x3100] =	vst v63  }
0x86: {  	s30 =	sadd.s32 $0x80, s12  }
0x87: {  	[hbm4b:s30+s3] =	stream.linear.scatter [tilespmem:s22], [sflag:$0x1], $0x80, $0x38;
	[tilespmem:$0x3100] =	vst v63  }
0x88: {  	s29 =	sadd.s32 $0x100, s12  }
0x89: {  	[hbm4b:s29+s3] =	stream.linear.scatter [tilespmem:s23], [sflag:$0x1], $0x80, $0x38;
	[tilespmem:$0x3100] =	vst v63  }
0x8a: {  	s30 =	sadd.s32 $0x180, s12  }
0x8b: {  	[hbm4b:s30+s3] =	stream.linear.scatter [tilespmem:s24], [sflag:$0x1], $0x80, $0x38;
	[tilespmem:$0x3100] =	vst v63  }
0x8c: {  	_ =	swait.ge [sflag:s19], $0x200  }
0x8d: {  	[sflag:s19] =	ssyncset.done $0x0  }
0x8e: {  	[sflag:s19] =	ssyncadd.s32 $0xFFFFFE00  }
0x8f: {  	_ =	swait.ge [sflag:s19], $0x200  }
0x90: {  	[sflag:s19] =	ssyncset.done $0x0  }
0x91: {  	[sflag:s19] =	ssyncadd.s32 $0xFFFFFE00  }
0x92: {  	_ =	swait.ge [sflag:s19], $0x200  }
0x93: {  	[sflag:s19] =	ssyncset.done $0x0  }
0x94: {  	[sflag:s19] =	ssyncadd.s32 $0xFFFFFE00  }
0x95: {  	_ =	swait.ge [sflag:s19], $0x200  }
0x96: {  	[sflag:s19] =	ssyncset.done $0x0  }
0x97: {  	[sflag:s19] =	ssyncadd.s32 $0xFFFFFE00  }
0x98: {  	_ =	swait.ge [sflag:s19], $0x200  }
0x99: {  	[sflag:s19] =	ssyncset.done $0x0  }
0x9a: {  	[sflag:s19] =	ssyncadd.s32 $0xFFFFFE00  }
0x9b: {  	_ =	swait.ge [sflag:s19], $0x200  }
0x9c: {  	[sflag:s19] =	ssyncset.done $0x0  }
0x9d: {  	[sflag:s19] =	ssyncadd.s32 $0xFFFFFE00  }
0x9e: {  	_ =	swait.ge [sflag:s19], $0x200  }
0x9f: {  	[sflag:s19] =	ssyncset.done $0x0  }
0xa0: {  	[sflag:s19] =	ssyncadd.s32 $0xFFFFFE00  }
0xa1: {  	s26 =	sadd.s32 $0x1, s26;
	_ =	swait.ge [sflag:s19], $0x200  }
0xa2: {  	p0 =	sne.s32 s26, s15;
	[sflag:s19] =	ssyncset.done $0x0  }
.Ltmp2:
0xa3: {  	[sflag:s19] =	ssyncadd.s32 $0xFFFFFE00;
	(pc) =	sbr.rel @p0 .LBB2_2-.Ltmp2, $4  }
0xa4: {  	[hbm4b:s13+s3] =	stream.linear.scatter [tilespmem:s25], [sflag:$0x2], $0x8, $0x38;
	[tilespmem:$0x3100] =	vst v63  }
0xa5: {  	_ =	swait.ge [sflag:s16], $0x8  }
0xa6: {  	[sflag:s16] =	ssyncset.done $0x0  }
0xa7: {  	[sflag:s16] =	ssyncadd.s32 $0xFFFFFFF8  }
.LBB2_5:
0xa8: {  	_ =	sfence.sel $0x180000  }
0xa9: {  	[bflag:$0x0] =	sbarrier.arrive $0xFFFF  }
0xaa: {  	_ =	strace $0x90000047  }
0xab: {  	s0 =	stileid.u32;
	[bflag:$0x2] =	sbarrier.arrive $0xFFFF  }
0xac: {  	p0 =	sne.s32 s0, $0x0;
	s0 =	rddreg [dreg:$0xb]  }
0xad: {  	s0 =	sadd.s32 @!p0 $0x100000, s0  }
0xae: {  	[sflag:s0] =	ssyncadd.tile.s32 @!p0 $0x1;
	_ =	shalt  }
.Lfunc_end2:
_tile_overlayer_lowered:
.L_overlay_start_2:
0xaf: {  	(tag) =	ssettag $0x2  }
0xb0: {  	s0 =	rddreg [dreg:$0x0];
	s2 =	stileid.u32  }
0xb1: {  	s1 =	rddreg [dreg:$0x1];
	p0 =	sne.s32 s2, $0x0  }
0xb2: {  	s3 =	rddreg [dreg:$0x2];
	[bflag:$0x3] =	sbarrier.arrive $0xFFFF;
	s2 =	simm.s32 @!p0 $0x1C02  }
0xb3: {  	[timem:s3], [sflag:s2] =	dma.local @!p0 [hbm:s0], s1  }
0xb4: {  	s0 =	simm.s32 @!p0 $0x2  }
0xb5: {  	_ =	swait.ge @!p0 [sflag:s0], s1  }
0xb6: {  	s1 =	ssub.s32 @!p0 $0x0, s1;
	[sflag:s0] =	ssyncset.done @!p0 $0x0  }
0xb7: {  	[sflag:s0] =	ssyncadd.s32 @!p0 s1  }
0xb8: {  	[bflag:$0x3] =	sbarrier.arrive $0xFFFF  }
0xb9: {  	_ =	shalt  }

</sc_bundles>
